<compile_context>
chip_gen: v7x
topology: tpu7x:2x2x1
jax: 0.10.2.dev20260603
libtpu: 0.0.44.dev20260713+nightly
codegen_flags: <defaults>
</compile_context>

<pallas_src>
import functools

import jax
import jax.numpy as jnp
from jax.experimental import pallas as pl
from jax.experimental.pallas import tpu as pltpu
from jax.experimental.pallas import tpu_sc as plsc

_N = 16384
_C = 1000
_BR = 1024
_NS = 2
_NB = _N // (_BR * _NS)
_K = _N - 15565

_I32_MIN = -2147483648
_I32_MAXP = 2147483647


def _sc_gather(flat, flat_idx):
    info = plsc.get_sparse_core_info()
    nc, ns = info.num_cores, info.num_subcores
    nw = nc * ns
    bpw = _N // nw

    mesh = plsc.VectorSubcoreMesh(core_axis_name="c", subcore_axis_name="s")

    @functools.partial(
        pl.kernel, mesh=mesh,
        out_type=jax.ShapeDtypeStruct((_N,), jnp.float32),
        scratch_types=[
            pltpu.VMEM((bpw,), jnp.int32),
            pltpu.VMEM((bpw,), jnp.float32),
            pltpu.SemaphoreType.DMA,
        ],
    )
    def k(flat_hbm, idx_hbm, out_hbm, idx_v, vals_v, sem):
        wid = jax.lax.axis_index("s") * nc + jax.lax.axis_index("c")
        base = wid * bpw
        pltpu.sync_copy(idx_hbm.at[pl.ds(base, bpw)], idx_v)
        pltpu.async_copy(flat_hbm.at[idx_v], vals_v, sem).wait()
        pltpu.sync_copy(vals_v, out_hbm.at[pl.ds(base, bpw)])

    return k(flat, flat_idx)


def _half_lse(x):
    m = jnp.max(x, axis=1)
    e = jnp.exp(x - m[:, None])
    ones = jnp.ones((_C, 1), jnp.float32)
    s = jax.lax.dot_general(
        e, ones, (((1,), (0,)), ((), ())),
        preferred_element_type=jnp.float32)[:, 0]
    return m + jnp.log(s)


def _lse_body(x1_ref, x2_ref, l1_ref, l2_ref):
    l1_ref[0, 0, :] = _half_lse(x1_ref[...])
    l2_ref[0, 0, :] = _half_lse(x2_ref[...])


def _select_body(l1_ref, l2_ref, xl_ref, out_ref):
    lse = jnp.concatenate(
        [l1_ref[...].reshape(_NB, _BR), l2_ref[...].reshape(_NB, _BR)],
        axis=0)
    loss = lse - xl_ref[...].reshape(_NS * _NB, _BR)
    i32_min = jnp.int32(_I32_MIN)
    i32_maxp = jnp.int32(_I32_MAXP)
    bits = jax.lax.bitcast_convert_type(loss, jnp.int32)
    key = jnp.where(bits < 0, bits ^ i32_maxp, bits)

    def body(t, prefix):
        lo = 30 - 2 * t
        c1 = prefix | jax.lax.shift_left(jnp.int32(1), lo)
        c2 = prefix | jax.lax.shift_left(jnp.int32(2), lo)
        c3 = prefix | jax.lax.shift_left(jnp.int32(3), lo)
        n1 = jnp.sum((key >= (c1 ^ i32_min)).astype(jnp.int32))
        n2 = jnp.sum((key >= (c2 ^ i32_min)).astype(jnp.int32))
        n3 = jnp.sum((key >= (c3 ^ i32_min)).astype(jnp.int32))
        d = ((n1 >= _K).astype(jnp.int32) + (n2 >= _K).astype(jnp.int32)
             + (n3 >= _K).astype(jnp.int32))
        return prefix | jax.lax.shift_left(d, lo)

    kth_biased = jax.lax.fori_loop(0, 16, body, jnp.int32(0))
    kth = kth_biased ^ i32_min
    mask = (key >= kth).astype(jnp.float32)
    out_ref[...] = (jnp.sum(loss * mask) / jnp.sum(mask)).reshape(1, 1)


def kernel(output, labels):
    labels_i = labels.astype(jnp.int32)
    flat_idx = jnp.arange(_N, dtype=jnp.int32) * _C + labels_i
    xl = _sc_gather(output.reshape(-1), flat_idx)

    lse_shape = jax.ShapeDtypeStruct((_NB, 1, _BR), jnp.float32)
    l1, l2 = pl.pallas_call(
        _lse_body,
        grid=(_NB,),
        in_specs=[
            pl.BlockSpec((_BR, _C), lambda i: (i, 0)),
            pl.BlockSpec((_BR, _C), lambda i: (i + _NB, 0)),
        ],
        out_specs=[
            pl.BlockSpec((1, 1, _BR), lambda i: (i, 0, 0)),
            pl.BlockSpec((1, 1, _BR), lambda i: (i, 0, 0)),
        ],
        out_shape=[lse_shape, lse_shape],
        compiler_params=pltpu.CompilerParams(
            dimension_semantics=("arbitrary",)),
    )(output, output)

    xl_r = xl.reshape(_NS * _NB, 1, _BR)
    out = pl.pallas_call(
        _select_body,
        in_specs=[
            pl.BlockSpec((_NB, 1, _BR), lambda: (0, 0, 0)),
            pl.BlockSpec((_NB, 1, _BR), lambda: (0, 0, 0)),
            pl.BlockSpec((_NS * _NB, 1, _BR), lambda: (0, 0, 0)),
        ],
        out_specs=pl.BlockSpec((1, 1), lambda: (0, 0)),
        out_shape=jax.ShapeDtypeStruct((1, 1), jnp.float32),
    )(l1, l2, xl_r)
    return out[0, 0]

# --- scband reference (transcript-rebuilt; emitter-appended) ---
"""Pipeline reference for scband-cva-r-52252572123594 (READ-ONLY COPY).

The authoritative reference and input builder live on the scoring server;
editing this copy changes nothing except your own understanding.
"""

import jax, jax.numpy as jnp
import numpy as np

A = 0.05

def setup_inputs(seed: int = 0) -> dict:
    key = jax.random.key(seed)
    k1, k2 = jax.random.split(key)
    output = jax.random.normal(k1, (16384, 1000), dtype=jnp.float32)
    labels = jax.random.randint(k2, (16384,), 0, 1000)
    return {"output": output, "labels": labels}

def _cross_entropy_none(output, labels):
    logp = jax.nn.log_softmax(output, axis=-1)
    return -jnp.take_along_axis(logp, labels[:, None], axis=-1)[:, 0]

def reference(output, labels):
    # per-sample cross entropy (reduction='none')
    loss = _cross_entropy_none(output, labels)
    n = loss.shape[0]
    # _value_at_risk: stable ascending sort
    sorted_indices = jnp.argsort(loss, stable=True)
    sorted_loss = loss[sorted_indices]
    empirical_cdf = jnp.argsort(sorted_indices, stable=True) / n
    sorted_cdf = jnp.sort(empirical_cdf)
    var_idx = jnp.searchsorted(sorted_cdf, 1.0 - A, side='left')
    value_at_risk = sorted_loss[var_idx]
    # values_at_risk = indices where loss >= VaR; reduction='mean' over selected losses
    mask = (loss >= value_at_risk).astype(loss.dtype)
    return jnp.sum(loss * mask) / jnp.sum(mask)

if __name__ == "__main__":
    import jax
    _d = setup_inputs()
    print(jax.jit(kernel)(*tuple(_d.values())))

</pallas_src>

<mosaic_0001>
#map = affine_map<(d0, d1) -> (0)>
module attributes {stable_mosaic.version = 14 : i64} {
  func.func @k(%arg0: i32, %arg1: i32, %arg2: memref<16384000xf32, #tpu.memory_space<hbm>>, %arg3: memref<16384xi32, #tpu.memory_space<hbm>>, %arg4: memref<16384xf32, #tpu.memory_space<hbm>>, %arg5: memref<512xi32, #tpu.memory_space<vmem>>, %arg6: memref<512xf32, #tpu.memory_space<vmem>>, %arg7: memref<!tpu.dma_semaphore, #tpu.memory_space<semaphore_mem>>) attributes {dimension_semantics = [#tpu.dimension_semantics<core_parallel>, #tpu.dimension_semantics<subcore_parallel>], iteration_bounds = array<i64: 2, 16>, scalar_prefetch = 0 : i64, scratch_operands = 3 : i64, tpu.core_type = #tpu.core_type<sc_vector_subcore>, window_params = [{transform_indices = #map}, {transform_indices = #map}, {transform_indices = #map}]} {
    %mul3A = arith.constant 2 : i32
    %mul3A_0 = arith.muli %arg1, %mul3A : i32
    %add3A = arith.addi %mul3A_0, %arg0 : i32
    %mul3A_1 = arith.constant 512 : i32
    %mul3A_2 = arith.muli %add3A, %mul3A_1 : i32
    "tpu.region"() ({
      %run_scoped3A = tpu.sem_alloc : memref<!tpu.dma_semaphore, #tpu.memory_space<semaphore_mem>>
      %dma_start3A_5 = tpu.memref_slice %arg3[%mul3A_2] : memref<16384xi32, #tpu.memory_space<hbm>> -> memref<512xi32, #tpu.memory_space<hbm>>
      %dma_start3A_6 = tpu.memref_slice %arg3[%mul3A_2] : memref<16384xi32, #tpu.memory_space<hbm>> -> memref<512xi32, #tpu.memory_space<hbm>>
      tpu.enqueue_dma source(%dma_start3A_6 : memref<512xi32, #tpu.memory_space<hbm>>) target(%arg5 : memref<512xi32, #tpu.memory_space<vmem>>) target_semaphore(%run_scoped3A : memref<!tpu.dma_semaphore, #tpu.memory_space<semaphore_mem>>)
      %dma_wait3A_7 = tpu.memref_slice %arg3[%mul3A_2] : memref<16384xi32, #tpu.memory_space<hbm>> -> memref<512xi32, #tpu.memory_space<hbm>>
      %dma_wait3A_8 = tpu.memref_slice %arg3[%mul3A_2] : memref<16384xi32, #tpu.memory_space<hbm>> -> memref<512xi32, #tpu.memory_space<hbm>>
      tpu.wait_dma2 semaphore(%run_scoped3A : memref<!tpu.dma_semaphore, #tpu.memory_space<semaphore_mem>>) src(%dma_wait3A_8 : memref<512xi32, #tpu.memory_space<hbm>>) dst(%arg5 : memref<512xi32, #tpu.memory_space<vmem>>)
      tpu.yield
    }) : () -> ()
    %dma_start3A = arith.constant 0 : i32
    %dma_start3A_3 = tpu.memref_slice %arg2[%dma_start3A] : memref<16384000xf32, #tpu.memory_space<hbm>> -> memref<16384000xf32, #tpu.memory_space<hbm>>
    tpu.enqueue_indirect_dma source(%dma_start3A_3 : memref<16384000xf32, #tpu.memory_space<hbm>>) target(%arg6 : memref<512xf32, #tpu.memory_space<vmem>>) offsets(%arg5 : memref<512xi32, #tpu.memory_space<vmem>>) semaphore(%arg7 : memref<!tpu.dma_semaphore, #tpu.memory_space<semaphore_mem>>)
    %dma_wait3A = arith.constant 0 : i32
    %dma_wait3A_4 = tpu.memref_slice %arg2[%dma_wait3A] : memref<16384000xf32, #tpu.memory_space<hbm>> -> memref<16384000xf32, #tpu.memory_space<hbm>>
    tpu.wait_indirect_dma semaphore(%arg7 : memref<!tpu.dma_semaphore, #tpu.memory_space<semaphore_mem>>) src(%dma_wait3A_4 : memref<16384000xf32, #tpu.memory_space<hbm>>) dst(%arg6 : memref<512xf32, #tpu.memory_space<vmem>>)
    "tpu.region"() ({
      %run_scoped3A = tpu.sem_alloc : memref<!tpu.dma_semaphore, #tpu.memory_space<semaphore_mem>>
      %dma_start3A_5 = tpu.memref_slice %arg4[%mul3A_2] : memref<16384xf32, #tpu.memory_space<hbm>> -> memref<512xf32, #tpu.memory_space<hbm>>
      %dma_start3A_6 = tpu.memref_slice %arg4[%mul3A_2] : memref<16384xf32, #tpu.memory_space<hbm>> -> memref<512xf32, #tpu.memory_space<hbm>>
      tpu.enqueue_dma source(%arg6 : memref<512xf32, #tpu.memory_space<vmem>>) target(%dma_start3A_6 : memref<512xf32, #tpu.memory_space<hbm>>) target_semaphore(%run_scoped3A : memref<!tpu.dma_semaphore, #tpu.memory_space<semaphore_mem>>)
      %dma_wait3A_7 = tpu.memref_slice %arg4[%mul3A_2] : memref<16384xf32, #tpu.memory_space<hbm>> -> memref<512xf32, #tpu.memory_space<hbm>>
      %dma_wait3A_8 = tpu.memref_slice %arg4[%mul3A_2] : memref<16384xf32, #tpu.memory_space<hbm>> -> memref<512xf32, #tpu.memory_space<hbm>>
      tpu.wait_dma2 semaphore(%run_scoped3A : memref<!tpu.dma_semaphore, #tpu.memory_space<semaphore_mem>>) src(%arg6 : memref<512xf32, #tpu.memory_space<vmem>>) dst(%dma_wait3A_8 : memref<512xf32, #tpu.memory_space<hbm>>)
      tpu.yield
    }) : () -> ()
    return
  }
}

module attributes {stable_mosaic.version = 14 : i64} {
  func.func @_lse_body(%arg0: i32, %arg1: memref<1024x1000xf32, #tpu.memory_space<vmem>>, %arg2: memref<1024x1000xf32, #tpu.memory_space<vmem>>, %arg3: memref<1x1x1024xf32, #tpu.memory_space<vmem>>, %arg4: memref<1x1x1024xf32, #tpu.memory_space<vmem>>) attributes {dimension_semantics = [#tpu.dimension_semantics<arbitrary>], iteration_bounds = array<i64: 8>, scalar_prefetch = 0 : i64, scratch_operands = 0 : i64, tpu.core_type = #tpu.core_type<tc>, window_params = [{transform_indices = @transform_0, window_bounds = array<i64: 1024, 1000>}, {transform_indices = @transform_1, window_bounds = array<i64: 1024, 1000>}, {transform_indices = @transform_2, window_bounds = array<i64: 1, 1, 1024>}, {transform_indices = @transform_3, window_bounds = array<i64: 1, 1, 1024>}]} {
    %get3A = arith.constant 0 : index
    %get3A_0 = arith.constant 0 : index
    %get3A_1 = vector.load %arg1[%get3A, %get3A_0] : memref<1024x1000xf32, #tpu.memory_space<vmem>>, vector<1024x1000xf32>
    %reduce_max3A = arith.constant dense<0xFF800000> : vector<1024xf32>
    %reduce_max3A_2 = vector.multi_reduction <maximumf>, %get3A_1, %reduce_max3A [1] : vector<1024x1000xf32> to vector<1024xf32>
    %broadcast_in_dim3A = vector.shape_cast %reduce_max3A_2 : vector<1024xf32> to vector<1024x1xf32>
    %sub3A = vector.broadcast %broadcast_in_dim3A : vector<1024x1xf32> to vector<1024x1000xf32>
    %sub3A_3 = arith.subf %get3A_1, %sub3A : vector<1024x1000xf32>
    %exp3A = math.exp %sub3A_3 : vector<1024x1000xf32>
    %broadcast_in_dim3A_4 = arith.constant 1.000000e+00 : f32
    %broadcast_in_dim3A_5 = vector.broadcast %broadcast_in_dim3A_4 : f32 to vector<1000x1xf32>
    %dot_general3A = arith.constant dense<0.000000e+00> : vector<1024x1xf32>
    %dot_general3A_6 = tpu.matmul %exp3A, %broadcast_in_dim3A_5, %dot_general3A {dimension_numbers = #tpu.dot_dimension_numbers<[1], [0], [0], [1], [0, 0, 1, 1], [], []>, transpose_lhs_hint = false} : vector<1024x1000xf32>, vector<1000x1xf32>, vector<1024x1xf32> -> vector<1024x1xf32>
    %squeeze3A = vector.shape_cast %dot_general3A_6 : vector<1024x1xf32> to vector<1024xf32>
    %log3A = math.log %squeeze3A : vector<1024xf32>
    %add3A = arith.addf %reduce_max3A_2, %log3A : vector<1024xf32>
    %swap3A = arith.constant 0 : index
    %swap3A_7 = arith.constant 0 : index
    %swap3A_8 = arith.constant 0 : index
    %swap3A_9 = vector.load %arg3[%swap3A, %swap3A_7, %swap3A_8] : memref<1x1x1024xf32, #tpu.memory_space<vmem>>, vector<1x1x1024xf32>
    %swap3A_10 = vector.shape_cast %swap3A_9 : vector<1x1x1024xf32> to vector<1024xf32>
    %swap3A_11 = vector.shape_cast %add3A : vector<1024xf32> to vector<1x1x1024xf32>
    tpu.vector_store %arg3[%swap3A, %swap3A_7, %swap3A_8], %swap3A_11 {strides = array<i32>} : memref<1x1x1024xf32, #tpu.memory_space<vmem>>, vector<1x1x1024xf32>,
    %get3A_12 = arith.constant 0 : index
    %get3A_13 = arith.constant 0 : index
    %get3A_14 = vector.load %arg2[%get3A_12, %get3A_13] : memref<1024x1000xf32, #tpu.memory_space<vmem>>, vector<1024x1000xf32>
    %reduce_max3A_15 = arith.constant dense<0xFF800000> : vector<1024xf32>
    %reduce_max3A_16 = vector.multi_reduction <maximumf>, %get3A_14, %reduce_max3A_15 [1] : vector<1024x1000xf32> to vector<1024xf32>
    %broadcast_in_dim3A_17 = vector.shape_cast %reduce_max3A_16 : vector<1024xf32> to vector<1024x1xf32>
    %sub3A_18 = vector.broadcast %broadcast_in_dim3A_17 : vector<1024x1xf32> to vector<1024x1000xf32>
    %sub3A_19 = arith.subf %get3A_14, %sub3A_18 : vector<1024x1000xf32>
    %exp3A_20 = math.exp %sub3A_19 : vector<1024x1000xf32>
    %broadcast_in_dim3A_21 = arith.constant 1.000000e+00 : f32
    %broadcast_in_dim3A_22 = vector.broadcast %broadcast_in_dim3A_21 : f32 to vector<1000x1xf32>
    %dot_general3A_23 = arith.constant dense<0.000000e+00> : vector<1024x1xf32>
    %dot_general3A_24 = tpu.matmul %exp3A_20, %broadcast_in_dim3A_22, %dot_general3A_23 {dimension_numbers = #tpu.dot_dimension_numbers<[1], [0], [0], [1], [0, 0, 1, 1], [], []>, transpose_lhs_hint = false} : vector<1024x1000xf32>, vector<1000x1xf32>, vector<1024x1xf32> -> vector<1024x1xf32>
    %squeeze3A_25 = vector.shape_cast %dot_general3A_24 : vector<1024x1xf32> to vector<1024xf32>
    %log3A_26 = math.log %squeeze3A_25 : vector<1024xf32>
    %add3A_27 = arith.addf %reduce_max3A_16, %log3A_26 : vector<1024xf32>
    %swap3A_28 = arith.constant 0 : index
    %swap3A_29 = arith.constant 0 : index
    %swap3A_30 = arith.constant 0 : index
    %swap3A_31 = vector.load %arg4[%swap3A_28, %swap3A_29, %swap3A_30] : memref<1x1x1024xf32, #tpu.memory_space<vmem>>, vector<1x1x1024xf32>
    %swap3A_32 = vector.shape_cast %swap3A_31 : vector<1x1x1024xf32> to vector<1024xf32>
    %swap3A_33 = vector.shape_cast %add3A_27 : vector<1024xf32> to vector<1x1x1024xf32>
    tpu.vector_store %arg4[%swap3A_28, %swap3A_29, %swap3A_30], %swap3A_33 {strides = array<i32>} : memref<1x1x1024xf32, #tpu.memory_space<vmem>>, vector<1x1x1024xf32>,
    return
  }
  func.func @transform_0(%arg0: i32) -> (i32, i32) {
    %c0_i32 = arith.constant 0 : i32
    %c0_i32_0 = arith.constant 0 : i32
    return %arg0, %c0_i32 : i32, i32
  }
  func.func @transform_1(%arg0: i32) -> (i32, i32) {
    %add3A = arith.constant 8 : i32
    %add3A_0 = arith.addi %arg0, %add3A : i32
    %c0_i32 = arith.constant 0 : i32
    %c0_i32_1 = arith.constant 0 : i32
    return %add3A_0, %c0_i32 : i32, i32
  }
  func.func @transform_2(%arg0: i32) -> (i32, i32, i32) {
    %c0_i32 = arith.constant 0 : i32
    %c0_i32_0 = arith.constant 0 : i32
    %c0_i32_1 = arith.constant 0 : i32
    return %arg0, %c0_i32, %c0_i32_0 : i32, i32, i32
  }
  func.func @transform_3(%arg0: i32) -> (i32, i32, i32) {
    %c0_i32 = arith.constant 0 : i32
    %c0_i32_0 = arith.constant 0 : i32
    %c0_i32_1 = arith.constant 0 : i32
    return %arg0, %c0_i32, %c0_i32_0 : i32, i32, i32
  }
}

module attributes {stable_mosaic.version = 14 : i64} {
  func.func @_select_body(%arg0: memref<8x1x1024xf32, #tpu.memory_space<vmem>>, %arg1: memref<8x1x1024xf32, #tpu.memory_space<vmem>>, %arg2: memref<16x1x1024xf32, #tpu.memory_space<vmem>>, %arg3: memref<1x1xf32, #tpu.memory_space<vmem>>) attributes {dimension_semantics = [], scalar_prefetch = 0 : i64, scratch_operands = 0 : i64, tpu.core_type = #tpu.core_type<tc>} {
    %get3A = arith.constant 0 : index
    %get3A_0 = arith.constant 0 : index
    %get3A_1 = arith.constant 0 : index
    %get3A_2 = vector.load %arg0[%get3A, %get3A_0, %get3A_1] : memref<8x1x1024xf32, #tpu.memory_space<vmem>>, vector<8x1x1024xf32>
    %reshape3A = vector.shape_cast %get3A_2 : vector<8x1x1024xf32> to vector<8x1024xf32>
    %get3A_3 = arith.constant 0 : index
    %get3A_4 = arith.constant 0 : index
    %get3A_5 = arith.constant 0 : index
    %get3A_6 = vector.load %arg1[%get3A_3, %get3A_4, %get3A_5] : memref<8x1x1024xf32, #tpu.memory_space<vmem>>, vector<8x1x1024xf32>
    %reshape3A_7 = vector.shape_cast %get3A_6 : vector<8x1x1024xf32> to vector<8x1024xf32>
    %concatenate3A = tpu.concatenate %reshape3A, %reshape3A_7 in 0 : vector<8x1024xf32>, vector<8x1024xf32> -> vector<16x1024xf32>
    %get3A_8 = arith.constant 0 : index
    %get3A_9 = arith.constant 0 : index
    %get3A_10 = arith.constant 0 : index
    %get3A_11 = vector.load %arg2[%get3A_8, %get3A_9, %get3A_10] : memref<16x1x1024xf32, #tpu.memory_space<vmem>>, vector<16x1x1024xf32>
    %reshape3A_12 = vector.shape_cast %get3A_11 : vector<16x1x1024xf32> to vector<16x1024xf32>
    %sub3A = arith.subf %concatenate3A, %reshape3A_12 : vector<16x1024xf32>
    %bitcast_convert_type3A = tpu.bitcast %sub3A : vector<16x1024xf32> -> vector<16x1024xi32>
    %lt3A = arith.constant 0 : i32
    %lt3A_13 = vector.broadcast %lt3A : i32 to vector<16x1024xi32>
    %lt3A_14 = arith.cmpi slt, %bitcast_convert_type3A, %lt3A_13 : vector<16x1024xi32>
    %xor3A = arith.constant 2147483647 : i32
    %xor3A_15 = vector.broadcast %xor3A : i32 to vector<16x1024xi32>
    %xor3A_16 = arith.xori %bitcast_convert_type3A, %xor3A_15 : vector<16x1024xi32>
    %select_n3A = arith.select %lt3A_14, %xor3A_16, %bitcast_convert_type3A : vector<16x1024xi1>, vector<16x1024xi32>
    %scan3A = arith.constant -2147483648 : i32
    %scan3A_17 = arith.constant 0 : i32
    %scan3A_18 = arith.constant 0 : i32
    %scan3A_19 = arith.constant 16 : i32
    %scan3A_20 = arith.addi %scan3A_18, %scan3A_19 : i32
    %scan3A_21 = arith.constant 1 : i32
    %scan3A_22 = scf.for %scan3A_40 = %scan3A_18 to %scan3A_20 step %scan3A_21 iter_args(%scan3A_41 = %scan3A_17) -> (i32)  : i32 {
      %mul3A_42 = arith.constant 2 : i32
      %mul3A_43 = arith.muli %mul3A_42, %scan3A_40 : i32
      %sub3A_44 = arith.constant 30 : i32
      %sub3A_45 = arith.subi %sub3A_44, %mul3A_43 : i32
      %shift_left3A = arith.constant 1 : i32
      %shift_left3A_46 = arith.shli %shift_left3A, %sub3A_45 : i32
      %or3A = arith.ori %scan3A_41, %shift_left3A_46 : i32
      %shift_left3A_47 = arith.constant 2 : i32
      %shift_left3A_48 = arith.shli %shift_left3A_47, %sub3A_45 : i32
      %or3A_49 = arith.ori %scan3A_41, %shift_left3A_48 : i32
      %shift_left3A_50 = arith.constant 3 : i32
      %shift_left3A_51 = arith.shli %shift_left3A_50, %sub3A_45 : i32
      %or3A_52 = arith.ori %scan3A_41, %shift_left3A_51 : i32
      %xor3A_53 = arith.xori %or3A, %scan3A : i32
      %ge3A_54 = vector.broadcast %xor3A_53 : i32 to vector<16x1024xi32>
      %ge3A_55 = arith.cmpi sge, %select_n3A, %ge3A_54 : vector<16x1024xi32>
      %convert_element_type3A_56 = arith.extui %ge3A_55 : vector<16x1024xi1> to vector<16x1024xi32>
      %reduce_sum3A_57 = vector.shape_cast %convert_element_type3A_56 : vector<16x1024xi32> to vector<1x16x1024xi32>
      %reduce_sum3A_58 = arith.constant dense<0> : vector<1xi32>
      %reduce_sum3A_59 = vector.multi_reduction <add>, %reduce_sum3A_57, %reduce_sum3A_58 [1, 2] : vector<1x16x1024xi32> to vector<1xi32>
      %reduce_sum3A_60 = vector.shape_cast %reduce_sum3A_59 : vector<1xi32> to vector<1x1x1xi32>
      %reduce_sum3A_61 = vector.extract %reduce_sum3A_60[0, 0, 0] : i32 from vector<1x1x1xi32>
      %xor3A_62 = arith.xori %or3A_49, %scan3A : i32
      %ge3A_63 = vector.broadcast %xor3A_62 : i32 to vector<16x1024xi32>
      %ge3A_64 = arith.cmpi sge, %select_n3A, %ge3A_63 : vector<16x1024xi32>
      %convert_element_type3A_65 = arith.extui %ge3A_64 : vector<16x1024xi1> to vector<16x1024xi32>
      %reduce_sum3A_66 = vector.shape_cast %convert_element_type3A_65 : vector<16x1024xi32> to vector<1x16x1024xi32>
      %reduce_sum3A_67 = arith.constant dense<0> : vector<1xi32>
      %reduce_sum3A_68 = vector.multi_reduction <add>, %reduce_sum3A_66, %reduce_sum3A_67 [1, 2] : vector<1x16x1024xi32> to vector<1xi32>
      %reduce_sum3A_69 = vector.shape_cast %reduce_sum3A_68 : vector<1xi32> to vector<1x1x1xi32>
      %reduce_sum3A_70 = vector.extract %reduce_sum3A_69[0, 0, 0] : i32 from vector<1x1x1xi32>
      %xor3A_71 = arith.xori %or3A_52, %scan3A : i32
      %ge3A_72 = vector.broadcast %xor3A_71 : i32 to vector<16x1024xi32>
      %ge3A_73 = arith.cmpi sge, %select_n3A, %ge3A_72 : vector<16x1024xi32>
      %convert_element_type3A_74 = arith.extui %ge3A_73 : vector<16x1024xi1> to vector<16x1024xi32>
      %reduce_sum3A_75 = vector.shape_cast %convert_element_type3A_74 : vector<16x1024xi32> to vector<1x16x1024xi32>
      %reduce_sum3A_76 = arith.constant dense<0> : vector<1xi32>
      %reduce_sum3A_77 = vector.multi_reduction <add>, %reduce_sum3A_75, %reduce_sum3A_76 [1, 2] : vector<1x16x1024xi32> to vector<1xi32>
      %reduce_sum3A_78 = vector.shape_cast %reduce_sum3A_77 : vector<1xi32> to vector<1x1x1xi32>
      %reduce_sum3A_79 = vector.extract %reduce_sum3A_78[0, 0, 0] : i32 from vector<1x1x1xi32>
      %ge3A_80 = arith.constant 819 : i32
      %ge3A_81 = arith.cmpi sge, %reduce_sum3A_61, %ge3A_80 : i32
      %convert_element_type3A_82 = arith.extui %ge3A_81 : i1 to i32
      %ge3A_83 = arith.constant 819 : i32
      %ge3A_84 = arith.cmpi sge, %reduce_sum3A_70, %ge3A_83 : i32
      %convert_element_type3A_85 = arith.extui %ge3A_84 : i1 to i32
      %add3A = arith.addi %convert_element_type3A_82, %convert_element_type3A_85 : i32
      %ge3A_86 = arith.constant 819 : i32
      %ge3A_87 = arith.cmpi sge, %reduce_sum3A_79, %ge3A_86 : i32
      %convert_element_type3A_88 = arith.extui %ge3A_87 : i1 to i32
      %add3A_89 = arith.addi %add3A, %convert_element_type3A_88 : i32
      %shift_left3A_90 = arith.shli %add3A_89, %sub3A_45 : i32
      %or3A_91 = arith.ori %scan3A_41, %shift_left3A_90 : i32
      scf.yield %or3A_91 : i32
    }
    %scan3A_23 = arith.constant 16 : i32
    %xor3A_24 = arith.constant -2147483648 : i32
    %xor3A_25 = arith.xori %scan3A_22, %xor3A_24 : i32
    %ge3A = vector.broadcast %xor3A_25 : i32 to vector<16x1024xi32>
    %ge3A_26 = arith.cmpi sge, %select_n3A, %ge3A : vector<16x1024xi32>
    %convert_element_type3A = arith.extui %ge3A_26 : vector<16x1024xi1> to vector<16x1024xi32>
    %convert_element_type3A_27 = arith.sitofp %convert_element_type3A : vector<16x1024xi32> to vector<16x1024xf32>
    %mul3A = arith.mulf %sub3A, %convert_element_type3A_27 : vector<16x1024xf32>
    %reduce_sum3A = vector.shape_cast %mul3A : vector<16x1024xf32> to vector<1x16x1024xf32>
    %reduce_sum3A_28 = arith.constant dense<0.000000e+00> : vector<1xf32>
    %reduce_sum3A_29 = vector.multi_reduction <add>, %reduce_sum3A, %reduce_sum3A_28 [1, 2] : vector<1x16x1024xf32> to vector<1xf32>
    %reduce_sum3A_30 = vector.shape_cast %reduce_sum3A_29 : vector<1xf32> to vector<1x1x1xf32>
    %reduce_sum3A_31 = vector.extract %reduce_sum3A_30[0, 0, 0] : f32 from vector<1x1x1xf32>
    %reduce_sum3A_32 = vector.shape_cast %convert_element_type3A_27 : vector<16x1024xf32> to vector<1x16x1024xf32>
    %reduce_sum3A_33 = arith.constant dense<0.000000e+00> : vector<1xf32>
    %reduce_sum3A_34 = vector.multi_reduction <add>, %reduce_sum3A_32, %reduce_sum3A_33 [1, 2] : vector<1x16x1024xf32> to vector<1xf32>
    %reduce_sum3A_35 = vector.shape_cast %reduce_sum3A_34 : vector<1xf32> to vector<1x1x1xf32>
    %reduce_sum3A_36 = vector.extract %reduce_sum3A_35[0, 0, 0] : f32 from vector<1x1x1xf32>
    %div3A = arith.divf %reduce_sum3A_31, %reduce_sum3A_36 : f32
    %reshape3A_37 = vector.broadcast %div3A : f32 to vector<1x1xf32>
    %swap3A = arith.constant 0 : index
    %swap3A_38 = arith.constant 0 : index
    %swap3A_39 = vector.load %arg3[%swap3A, %swap3A_38] : memref<1x1xf32, #tpu.memory_space<vmem>>, vector<1x1xf32>
    tpu.vector_store %arg3[%swap3A, %swap3A_38], %reshape3A_37 {strides = array<i32>} : memref<1x1xf32, #tpu.memory_space<vmem>>, vector<1x1xf32>,
    return
  }
}

</mosaic_0001>

<sc_bundles>
// kernel: kernel.5.cloned.1.call-start
scs
__scs_entry_jumppad:
0x0: {  	(pc) =	sbr.rel $0x88, $3  }
0x1: {  	(tag) =	ssettag $0x0;
	lr =	simm.s32 $0x1  }
0x2: {  	[smem:$0x3F9F] =	sst lr;
	_ =	strace $0xD0000000  }
0x3: {  	_ = 	snop  }
0x4: {  	_ = 	snop  }
0x5: {  	_ = 	snop  }
0x6: {  	_ = 	snop  }
0x7: {  	_ = 	snop  }
__scs_overlays_trampoline_lowered:
0x8: {  	[smem:$0x3FAE] =	sst s0  }
0x9: {  	[smem:$0x3FAF] =	sst s1  }
0xa: {  	[smem:$0x3FB0] =	sst s2  }
0xb: {  	[smem:$0x3FB1] =	sst s3  }
0xc: {  	[smem:$0x3FB2] =	sst s4  }
0xd: {  	[smem:$0x3FB3] =	sst s5  }
0xe: {  	[smem:$0x3FB4] =	sst s6  }
0xf: {  	[smem:$0x3FB5] =	sst s7  }
0x10: {  	[smem:$0x3FB6] =	sst s8  }
0x11: {  	[smem:$0x3FB7] =	sst s9;
	s0 =	simm.s32 @!p0 $0x0  }
0x12: {  	s1 =	sld [smem:$0x3F9D];
	s0 =	simm.s32 @p0 $0x1  }
0x13: {  	[smem:$0x3FB8] =	sst s0;
	s0 =	simm.s32 @!p1 $0x0  }
0x14: {  	s2 =	sld [smem:$0x3F9C];
	s0 =	simm.s32 @p1 $0x1  }
0x15: {  	[smem:$0x3FB9] =	sst s0;
	s0 =	simm.s32 @!p2 $0x0  }
0x16: {  	s3 =	sld [smem:$0x3FDB];
	s0 =	simm.s32 @p2 $0x1  }
0x17: {  	s4 =	simm.s32 $0x1BF5;
	[smem:$0x3FBB] =	sst s0  }
0x18: {  	s0 =	sld [smem:$0x3F9E];
	_ =	swait.ge [sflag:s4], $0x0  }
0x19: {  	s7 =	sld [smem:$0x3F9F]  }
0x1a: {  	s8 =	sadd.s32 $0xFFFFE003, lr  }
0x1b: {  	s9 =	sadd.s32 $0xFFFFFEF7, lr;
	s5 =	simm.s32 $0xFFFFFFFF;
	p2 =	slt.u32 s8, $0xFFFFF086  }
0x1c: {  	p1 =	slt.u32 s9, $0xF7A;
	s5 =	simm.s32 @!p2 $0x0  }
0x1d: {  	s5 =	simm.s32 @p1 $0x1;
	p0 =	seq.s32 s7, s2  }
0x1e: {  	s7 =	smul.u32 @!p0 $0xF7A, s2;
	p2 =	seq.s32 @!p0 s5, $0x0  }
0x1f: {  	s9 =	smul.u32 $0xF7A, s1;
	s8 =	simm.s32 @!p0 $0x1BF5;
	p2 =	por !p2, p0  }
0x20: {  	[sflag:s8] =	ssyncset.s32 @!p0 $0xFFFFF086;
	s6 =	sadd.s32 @!p0 s3, s7;
	s7 =	simm.s32 @!p0 $0x108  }
0x21: {  	s3 =	sadd.s32 s3, s9;
	s6 =	sadd.s32 @!p0 $0x88, s6;
	s7 =	simm.s32 @p2 $0x1082  }
0x22: {  	[simem:s7], [sflag:s8] =	dma.local @!p0 [hbm:s6], $0xF7A  }
0x23: {  	s9 =	sor.u32 $0xD0000000, s2;
	s6 =	simm.s32 $0x108;
	_ =	swait.ge @!p0 [sflag:s8], $0x0  }
0x24: {  	s3 =	sadd.s32 $0x88, s3;
	s6 =	simm.s32 @!p1 $0x1082;
	[sflag:s4] =	ssyncset.s32 $0xFFFFF086  }
0x25: {  	[simem:s6], [sflag:s4] =	dma.local [hbm:s3], $0xF7A  }
0x26: {  	[smem:$0x3F9F] =	sst s1;
	(tag) =	ssettag s2;
	_ =	strace s9  }
0x27: {  	s1 =	sld [smem:$0x3FAF]  }
0x28: {  	s2 =	sld [smem:$0x3FB0]  }
0x29: {  	s4 =	sld [smem:$0x3FB2]  }
0x2a: {  	p0 =	seq.s32 s5, $0x0;
	s5 =	sld [smem:$0x3FB3]  }
0x2b: {  	s6 =	sld [smem:$0x3FB4]  }
0x2c: {  	s7 =	sld [smem:$0x3FB5]  }
0x2d: {  	s3 =	simm.s32 $0x108;
	s8 =	sld [smem:$0x3FB6]  }
0x2e: {  	s3 =	simm.s32 @!p0 $0x1082;
	s9 =	sld [smem:$0x3FB7]  }
0x2f: {  	lr =	sadd.s32 s0, s3;
	s0 =	sld [smem:$0x3FAE]  }
0x30: {  	s3 =	sld [smem:$0x3FB1]  }
0x31: {  	[smem:$0x3FBA] =	sst s10  }
0x32: {  	s10 =	sld [smem:$0x3FB8];
	_ =	sdelay $0x3  }
0x33: {  	p0 =	seq.s32 s10, $0x1;
	s10 =	sld [smem:$0x3FBA];
	_ =	sdelay $0x3  }
0x34: {  	[smem:$0x3FBA] =	sst s10  }
0x35: {  	s10 =	sld [smem:$0x3FB9];
	_ =	sdelay $0x3  }
0x36: {  	p1 =	seq.s32 s10, $0x1;
	s10 =	sld [smem:$0x3FBA];
	_ =	sdelay $0x3  }
0x37: {  	[smem:$0x3FBA] =	sst s10  }
0x38: {  	s10 =	sld [smem:$0x3FBB]  }
0x39: {  	_ = 	snop;
	(pc) =	sbr.ind lr, $3  }
0x3a: {  	_ = 	snop  }
0x3b: {  	_ = 	snop  }
0x3c: {  	p2 =	seq.s32 s10, $0x1;
	s10 =	sld [smem:$0x3FBA]  }
0x3d: {  	_ =	shalt  }
0x3e: {  	_ =	shalt  }
0x3f: {  	_ =	shalt  }
0x40: {  	_ =	shalt  }
0x41: {  	_ =	shalt  }
0x42: {  	_ =	shalt  }
0x43: {  	_ =	shalt  }
0x44: {  	_ =	shalt  }
0x45: {  	_ =	shalt  }
0x46: {  	_ =	shalt  }
0x47: {  	_ =	shalt  }
0x48: {  	_ =	shalt  }
0x49: {  	_ =	shalt  }
0x4a: {  	_ =	shalt  }
0x4b: {  	_ =	shalt  }
0x4c: {  	_ =	shalt  }
0x4d: {  	_ =	shalt  }
0x4e: {  	_ =	shalt  }
0x4f: {  	_ =	shalt  }
0x50: {  	_ =	shalt  }
0x51: {  	_ =	shalt  }
0x52: {  	_ =	shalt  }
0x53: {  	_ =	shalt  }
0x54: {  	_ =	shalt  }
0x55: {  	_ =	shalt  }
0x56: {  	_ =	shalt  }
0x57: {  	_ =	shalt  }
0x58: {  	_ =	shalt  }
0x59: {  	_ =	shalt  }
0x5a: {  	_ =	shalt  }
0x5b: {  	_ =	shalt  }
0x5c: {  	_ =	shalt  }
0x5d: {  	_ =	shalt  }
0x5e: {  	_ =	shalt  }
0x5f: {  	_ =	shalt  }
0x60: {  	_ =	shalt  }
0x61: {  	_ =	shalt  }
0x62: {  	_ =	shalt  }
0x63: {  	_ =	shalt  }
0x64: {  	_ =	shalt  }
0x65: {  	_ =	shalt  }
0x66: {  	_ =	shalt  }
0x67: {  	_ =	shalt  }
0x68: {  	_ =	shalt  }
0x69: {  	_ =	shalt  }
0x6a: {  	_ =	shalt  }
0x6b: {  	_ =	shalt  }
0x6c: {  	_ =	shalt  }
0x6d: {  	_ =	shalt  }
0x6e: {  	_ =	shalt  }
0x6f: {  	_ =	shalt  }
0x70: {  	_ =	shalt  }
0x71: {  	_ =	shalt  }
0x72: {  	_ =	shalt  }
0x73: {  	_ =	shalt  }
0x74: {  	_ =	shalt  }
0x75: {  	_ =	shalt  }
0x76: {  	_ =	shalt  }
0x77: {  	_ =	shalt  }
0x78: {  	_ =	shalt  }
0x79: {  	_ =	shalt  }
0x7a: {  	_ =	shalt  }
0x7b: {  	_ =	shalt  }
0x7c: {  	_ =	shalt  }
0x7d: {  	_ =	shalt  }
0x7e: {  	_ =	shalt  }
0x7f: {  	_ =	shalt  }
0x80: {  	_ =	shalt  }
0x81: {  	_ =	shalt  }
0x82: {  	_ =	shalt  }
0x83: {  	_ =	shalt  }
0x84: {  	_ =	shalt  }
0x85: {  	_ =	shalt  }
0x86: {  	_ =	shalt  }
0x87: {  	_ =	shalt  }
.Lfunc_end0:
.L_simem_size_0:
called_computation_lowered:
.L_overlay_start_0:
0x88: {  	s2 =	sld [smem:$0x3FD9]  }
0x89: {  	s3 =	sld [smem:$0x3FFE];
	_ =	sdelay $0x1  }
0x8a: {  	s1 =	srdreg.scid  }
0x8b: {  	s0 =	sand.u32 $0x1, s1  }
0x8c: {  	s16 =	sshll.u32 s0, $0xA;
	s2 =	sadd.s32 s3, s2  }
0x8d: {  	s2 =	sadd.s32 s2, s16  }
0x8e: {  	[smem:$0x3FC6] =	sst s2  }
0x8f: {  	_ = 	snop  }
0x90: {  	(tm) =	ssettm $0x1  }
0x91: {  	s17 =	sld [smem:$0x3FFB];
	_ =	sdelay $0x3  }
0x92: {  	_ =	strace s17  }
0x93: {  	s2 =	sld [smem:$0x3FFC];
	_ =	sdelay $0x3  }
0x94: {  	_ =	strace s2  }
0x95: {  	s2 =	sld [smem:$0x3FFD];
	_ =	sdelay $0x3  }
0x96: {  	_ =	strace s2  }
0x97: {  	_ =	strace $0x8FFFFFFF  }
0x98: {  	s18 =	sld [smem:$0x3FDB];
	_ =	sdelay $0x1  }
0x99: {  	s19 =	simm.s32 $_scs_section_size  }
0x9a: {  	s4 =	simm.s32 $_size__tile_overlayer_lowered;
	s5 =	simm.s32 $_tile_overlayer_lowered  }
0x9b: {  	s22 =	simm.s32 $0x1BFF;
	s21 =	sshll.u32 s5, $0x1;
	s2 =	sadd.s32 s19, s18  }
0x9c: {  	s6 =	simm.s32 $0x0;
	s20 =	sshll.u32 s4, $0x1;
	s4 =	sadd.s32 s21, s2  }
0x9d: {  	[timem:s6], [sflag:s22] =	dma.local [hbm:s4], s20  }
0x9e: {  	_ =	swait.ge [sflag:s22], s20  }
0x9f: {  	s3 =	ssub.s32 $0x0, s20;
	[sflag:s22] =	ssyncset.done $0x0  }
0xa0: {  	[sflag:s22] =	ssyncadd.s32 s3;
	_ =	sdelay $0x1  }
0xa1: {  	s23 =	simm.s32 $0x1B8B  }
0xa2: {  	_ =	swait.ge [sflag:s23], $0x1  }
0xa3: {  	[sflag:s23] =	ssyncset.done $0x0  }
0xa4: {  	s25 =	simm.s32 $0x1B8E;
	s24 =	sld [smem:$0x3FFE];
	[sflag:s23] =	ssyncadd.s32 $0xFFFFFFFF  }
0xa5: {  	s26 =	simm.s32 $execute0_lowered;
	[smem:$0x3FD2] =	sst s25  }
0xa6: {  	s4 =	sshll.u32 s26, $0x1;
	_ =	strace $0x80000046;
	[dreg:$0x1] =	wrdreg $0xFFFFFFFF  }
0xa7: {  	s28 =	simm.s32 $_size_execute0_lowered;
	s2 =	sadd.s32 s2, s4;
	[dreg:$0x0] =	wrdreg $0x0  }
0xa8: {  	s4 =	sshll.u32 s28, $0x1;
	[dreg:$0x2] =	wrdreg s2  }
0xa9: {  	[dreg:$0x3] =	wrdreg s4  }
0xaa: {  	[dreg:$0x4] =	wrdreg $0xC0  }
0xab: {  	_ =	task [dreg:s6], $0x5FFFF  }
0xac: {  	[dreg:$0x1] =	wrdreg $0xFFFFFFFF  }
0xad: {  	[dreg:$0x0] =	wrdreg $0x60  }
0xae: {  	[dreg:$0x2] =	wrdreg s24  }
0xaf: {  	[dreg:$0x3] =	wrdreg $0x9  }
0xb0: {  	_ =	task.clear_ibuf [dreg:s6], $0x4FFFF;
	_ =	strace $0x90000046  }
0xb1: {  	s29 =	simm.s32 $0x9;
	_ =	strace $0x80000048  }
0xb2: {  	_ =	swait.ge [sflag:s29], $0x1  }
0xb3: {  	[sflag:s29] =	ssyncadd.s32 $0xFFFFFFFF  }
0xb4: {  	_ =	strace $0x90000048  }
0xb5: {  	_ =	sfence  }
0xb6: {  	s30 =	sld [smem:$0x0];
	_ =	sdelay $0x2  }
0xb7: {  	s31 =	sshll.u32 s1, $0xD;
	s1 =	sshrl.u32 s1, $0x2  }
0xb8: {  	s3 =	sand.u32 $0x4000, s31;
	s1 =	sadd.s32 s1, s30  }
0xb9: {  	s0 =	sor.u32 s3, s0;
	s1 =	sshll.u32 s1, $0x11  }
0xba: {  	s0 =	sor.u32 s1, s0  }
0xbb: {  	s0 =	sadd.s32 $0x8F2B, s0  }
0xbc: {  	[sflag:s0] =	ssyncadd.remote.s32 $0x1  }
0xbd: {  	_ =	sfence.sel $0xFFFF  }
0xbe: {  	[dreg:$0x0] =	wrdreg $0xFFFFFFFF;
	(pc) =	sbr.abs _section_cstart, $3  }
0xbf: {  	[dreg:$0x1] =	wrdreg $0xFFFFFFFF  }
0xc0: {  	_ =	task.clear_ibuf [dreg:s6], $0x2FFFF;
	_ =	strace $0x9FFFFFFF  }
0xc1: {  	(tm) =	ssettm $0x7FFFFFFF  }
tec
execute0_lowered:
.L_overlay_start_1:
0x0: {  	(tag) =	ssettag $0x1  }
0x1: {  	s1 =	srdreg.scid  }
0x2: {  	s0 =	stileid.u32;
	s5 =	rddreg [dreg:$0x0];
	s6 =	sand.u32 $0x1, s1  }
0x3: {  	s2 =	simm.s32 $0x0;
	s3 =	sshll.u32 s0, $0x7;
	s4 =	sshll.u32 s6, $0x6  }
0x4: {  	[smem:$0x7FF] =	sst s2;
	s3 =	sor.u32 s4, s3  }
0x5: {  	s1 =	rddreg [dreg:$0x1];
	_ =	strace $0x80000047;
	s8 =	sadd.s32 s3, s5  }
0x6: {  	s9 =	ssub.s32 $0x2, s6;
	s3 =	simm.s32 $0x2;
	s4 =	sadd.s32 $0x3F4A00, s8  }
0x7: {  	[tilespmem:s2], [sflag:$0x2] =	stream.linear.gather [hbm4b:s4+s2], $0x200, $0x38;
	[tilespmem:$0x400] =	vst v63  }
0x8: {  	s7 =	simm.s32 $0x1;
	s10 =	sshrl.u32 s9, $0x1;
	_ =	swait.ge [sflag:s3], $0x200  }
0x9: {  	s6 =	simm.s32 $0x200;
	s9 =	ssub.s32 s9, s10;
	[sflag:s3] =	ssyncset.done $0x0  }
0xa: {  	s5 =	sadd.s32 $0x200A00, s5;
	s9 =	smax.u32 s9, $0x1;
	[sflag:s3] =	ssyncadd.s32 $0xFFFFFE00  }
0xb: {  	[tilespmem:s6], [sflag:$0x1] =	stream.indirect.gather [hbm4b:s5+s6], $0x1, s2, s6, $0xb8;
	[tilespmem:$0x400] =	vst v63  }
0xc: {  	p0 =	sne.s32 s9, $0x1;
	_ =	swait.ge [sflag:s7], $0x200  }
.Ltmp0:
0xd: {  	[sflag:s7] =	ssyncset.done $0x0;
	(pc) =	sbr.rel @!p0 .LBB2_2-.Ltmp0, $4  }
0xe: {  	s8 =	sadd.s32 $0x3F5200, s8;
	[sflag:s7] =	ssyncadd.s32 $0xFFFFFE00  }
0xf: {  	[hbm4b:s8+s2] =	stream.linear.scatter [tilespmem:s6], [sflag:$0x2], $0x200, $0x38;
	[tilespmem:$0x400] =	vst v63  }
0x10: {  	_ =	swait.ge [sflag:s3], $0x200  }
0x11: {  	s9 =	sadd.s32 $0xFFFFFFFF, s9;
	[sflag:s3] =	ssyncset.done $0x0  }
.LBB2_1:
0x12: {  	p0 =	sne.s32 s9, $0x1;
	s9 =	sadd.s32 $0xFFFFFFFF, s9;
	[sflag:s3] =	ssyncadd.s32 $0xFFFFFE00  }
0x13: {  	[tilespmem:s2], [sflag:$0x2] =	stream.linear.gather [hbm4b:s4+s2], $0x200, $0x38;
	[tilespmem:$0x400] =	vst v63  }
0x14: {  	_ =	swait.ge [sflag:s3], $0x200  }
0x15: {  	[sflag:s3] =	ssyncset.done $0x0  }
0x16: {  	[sflag:s3] =	ssyncadd.s32 $0xFFFFFE00  }
0x17: {  	[tilespmem:s6], [sflag:$0x1] =	stream.indirect.gather [hbm4b:s5+s6], $0x1, s2, s6, $0xb8;
	[tilespmem:$0x400] =	vst v63  }
0x18: {  	_ =	swait.ge [sflag:s7], $0x200  }
.Ltmp1:
0x19: {  	[sflag:s7] =	ssyncset.done $0x0;
	(pc) =	sbr.rel @p0 .LBB2_1-.Ltmp1, $4  }
0x1a: {  	[sflag:s7] =	ssyncadd.s32 $0xFFFFFE00  }
0x1b: {  	[hbm4b:s8+s2] =	stream.linear.scatter [tilespmem:s6], [sflag:$0x2], $0x200, $0x38;
	[tilespmem:$0x400] =	vst v63  }
0x1c: {  	_ =	swait.ge [sflag:s3], $0x200  }
0x1d: {  	[sflag:s3] =	ssyncset.done $0x0  }
.LBB2_2:
0x1e: {  	[sflag:s3] =	ssyncadd.s32 $0xFFFFFE00  }
0x1f: {  	_ =	sfence.sel $0x180000  }
0x20: {  	[bflag:$0x0] =	sbarrier.arrive $0xFFFF  }
0x21: {  	p0 =	sne.s32 s0, $0x0;
	_ =	strace $0x90000047  }
0x22: {  	s0 =	sadd.s32 @!p0 $0x100000, s1;
	[bflag:$0x2] =	sbarrier.arrive $0xFFFF  }
0x23: {  	[sflag:s0] =	ssyncadd.tile.s32 @!p0 $0x1;
	_ =	shalt  }
.Lfunc_end2:
_tile_overlayer_lowered:
.L_overlay_start_2:
0x24: {  	(tag) =	ssettag $0x2  }
0x25: {  	s0 =	rddreg [dreg:$0x0];
	s2 =	stileid.u32  }
0x26: {  	s1 =	rddreg [dreg:$0x1];
	p0 =	sne.s32 s2, $0x0  }
0x27: {  	s3 =	rddreg [dreg:$0x2];
	[bflag:$0x3] =	sbarrier.arrive $0xFFFF;
	s2 =	simm.s32 @!p0 $0x1C02  }
0x28: {  	[timem:s3], [sflag:s2] =	dma.local @!p0 [hbm:s0], s1  }
0x29: {  	s0 =	simm.s32 @!p0 $0x2  }
0x2a: {  	_ =	swait.ge @!p0 [sflag:s0], s1  }
0x2b: {  	s1 =	ssub.s32 @!p0 $0x0, s1;
	[sflag:s0] =	ssyncset.done @!p0 $0x0  }
0x2c: {  	[sflag:s0] =	ssyncadd.s32 @!p0 s1  }
0x2d: {  	[bflag:$0x3] =	sbarrier.arrive $0xFFFF  }
0x2e: {  	_ =	shalt  }

</sc_bundles>
